<compile_context>
chip_gen: v7x
topology: tpu7x:2x2x1
jax: 0.10.2.dev20260603
libtpu: 0.0.44.dev20260713+nightly
codegen_flags: <defaults>
</compile_context>

<pallas_src>
import functools

import jax
import jax.numpy as jnp
from jax import lax
from jax.experimental import pallas as pl
from jax.experimental.pallas import tpu as pltpu
from jax.experimental.pallas import tpu_sc as plsc

N_NODES = 10000
N_PAD = 10240
N_EDGES = 320000
NUM_CORES = 2
NUM_SUBCORES = 16
NW = NUM_CORES * NUM_SUBCORES
E_STRIDE = 9984
E_CHUNK = 10496
COL_W = N_PAD // NUM_SUBCORES
LEAKY_ALPHA = 0.1

def _nbr_body(edges_hbm, curr_hbm, out_hbm, ev_v, curr_v, ind_v):
    wid = lax.axis_index("s") * NUM_CORES + lax.axis_index("c")
    base = pl.multiple_of(wid * E_STRIDE, 128)
    pltpu.sync_copy(edges_hbm.at[:, pl.ds(base, E_CHUNK)], ev_v)
    pltpu.sync_copy(curr_hbm, curr_v)

    @plsc.parallel_loop(0, N_PAD, step=16, unroll=4)
    def _zero(i):
        ind_v[pl.ds(i, 16)] = jnp.zeros((16,), jnp.float32)

    curr16 = curr_v[...]
    ones16 = jnp.ones((16,), jnp.float32)

    @plsc.parallel_loop(0, E_CHUNK, step=16, unroll=4)
    def _edges(i):
        s16 = ev_v[0, pl.ds(i, 16)]
        d16 = ev_v[1, pl.ds(i, 16)]
        plsc.store_scatter(ind_v, [d16], ones16, mask=s16 == curr16)

    pltpu.sync_copy(ind_v, out_hbm.at[wid])


@functools.lru_cache(maxsize=1)
def _nbr_counts_kernel():
    return pl.kernel(
        _nbr_body,
        mesh=plsc.VectorSubcoreMesh(core_axis_name="c", subcore_axis_name="s"),
        compiler_params=pltpu.CompilerParams(needs_layout_passes=False),
        out_type=jax.ShapeDtypeStruct((NW, N_PAD), jnp.float32),
        scratch_types=[
            pltpu.VMEM((2, E_CHUNK), jnp.int32),
            pltpu.VMEM((16,), jnp.int32),
            pltpu.VMEM((N_PAD,), jnp.float32),
        ],
    )


def _mlp_scores(x_ref, w1_ref, b1_ref, w2_ref, b2_ref, out_ref):
    h = jnp.tanh(x_ref[...])
    hid_t = lax.dot_general(w1_ref[...], h, (((0,), (1,)), ((), ())),
                            preferred_element_type=jnp.float32)
    hid_t = hid_t + b1_ref[...]
    hid_t = jnp.where(hid_t > 0, hid_t, LEAKY_ALPHA * hid_t)
    out_ref[...] = jnp.sum(hid_t * w2_ref[...], axis=0, keepdims=True) + b2_ref[...]


def _masked_softmax(s_ref, counts_ref, out_ref):
    deg = jnp.sum(counts_ref[...], axis=0, keepdims=True)[:, :N_NODES]
    masked = jnp.where(deg > 0, s_ref[...], -1e9)
    m = jnp.max(masked)
    e = jnp.exp(masked - m)
    out_ref[...] = (e / jnp.sum(e))[0]


def kernel(x, edge_index, current_vertex_idx, Wc1, bc1, Wc2, bc2, Wc3, bc3,
           W1, b1, W2, b2):
    curr = jnp.full((16,), current_vertex_idx, jnp.int32)
    counts = _nbr_counts_kernel()(edge_index.astype(jnp.int32), curr)
    scores = pl.pallas_call(
        _mlp_scores,
        out_shape=jax.ShapeDtypeStruct((1, N_NODES), jnp.float32),
    )(x, W1, b1.reshape(-1, 1), W2, b2.reshape(1, 1))
    return pl.pallas_call(
        _masked_softmax,
        out_shape=jax.ShapeDtypeStruct((N_NODES,), jnp.float32),
    )(scores, counts)

# --- scband reference (transcript-rebuilt; emitter-appended) ---
"""Pipeline reference for scband-deep-ham-actor-58222576664664 (READ-ONLY COPY).

The authoritative reference and input builder live on the scoring server;
editing this copy changes nothing except your own understanding.
"""

import jax, jax.numpy as jnp
import numpy as np

N_NODES = 10000
D_FEAT = 128
D_EMB = 128
D_HID = 256
ALPHA = 0.1


def gcn_conv(x, src, dst, W, b, n):
    # PyG-style GCNConv: linear transform, add self-loops, sym-normalized scatter-add
    xw = x @ W
    loop = jnp.arange(n, dtype=src.dtype)
    s = jnp.concatenate([src, loop])
    d = jnp.concatenate([dst, loop])
    deg = jnp.zeros((n,), dtype=xw.dtype).at[d].add(1.0)
    dinv = jax.lax.rsqrt(jnp.maximum(deg, 1e-12))
    norm = dinv[s] * dinv[d]
    msg = xw[s] * norm[:, None]
    out = jnp.zeros((n, W.shape[1]), dtype=xw.dtype).at[d].add(msg)
    return out + b


def predictor_mlp(h, src, dst, curr, W1, b1, W2, b2):
    hid = h @ W1 + b1
    hid = jnp.where(hid > 0, hid, ALPHA * hid)  # LeakyReLU(relu_alpha)
    scores = (hid @ W2 + b2).squeeze(-1)
    # neighbors of current vertex (outgoing edges src==curr mark dst)
    nbr = jnp.zeros((h.shape[0],), dtype=h.dtype).at[dst].add(
        jnp.where(src == curr, 1.0, 0.0))
    masked = jnp.where(nbr > 0, scores, -1e9)
    return jax.nn.softmax(masked)


def setup_inputs(seed: int = 0) -> dict:
    key = jax.random.key(seed)
    ks = jax.random.split(key, 12)
    x = jax.random.normal(ks[0], (N_NODES, D_FEAT), dtype=jnp.float32)
    edge_index = jax.random.randint(ks[1], (2, 320000), 0, N_NODES, dtype=jnp.int64 if jax.config.jax_enable_x64 else jnp.int32)
    sc = 1.0 / np.sqrt(D_FEAT)
    Wc1 = jax.random.uniform(ks[2], (D_FEAT, D_EMB), jnp.float32, -sc, sc)
    bc1 = jnp.zeros((D_EMB,), jnp.float32)
    sc2 = 1.0 / np.sqrt(D_EMB)
    Wc2 = jax.random.uniform(ks[3], (D_EMB, D_EMB), jnp.float32, -sc2, sc2)
    bc2 = jnp.zeros((D_EMB,), jnp.float32)
    Wc3 = jax.random.uniform(ks[4], (D_EMB, D_EMB), jnp.float32, -sc2, sc2)
    bc3 = jnp.zeros((D_EMB,), jnp.float32)
    # predictor MLP operates on tanh(vertices) (per the original code, which
    # overwrites conv3 output with vertices.tanh()), so input dim = D_FEAT
    W1 = jax.random.uniform(ks[5], (D_FEAT, D_HID), jnp.float32, -sc, sc)
    b1 = jnp.zeros((D_HID,), jnp.float32)
    sch = 1.0 / np.sqrt(D_HID)
    W2 = jax.random.uniform(ks[6], (D_HID, 1), jnp.float32, -sch, sch)
    b2 = jnp.zeros((1,), jnp.float32)
    return {"x": x, "edge_index": edge_index, "current_vertex_idx": 7,
            "Wc1": Wc1, "bc1": bc1, "Wc2": Wc2, "bc2": bc2,
            "Wc3": Wc3, "bc3": bc3, "W1": W1, "b1": b1, "W2": W2, "b2": b2}


def reference(x, edge_index, current_vertex_idx, Wc1, bc1, Wc2, bc2, Wc3, bc3, W1, b1, W2, b2):
    src, dst = edge_index[0], edge_index[1]
    n = x.shape[0]
    h = gcn_conv(x, src, dst, Wc1, bc1, n)
    h = jnp.tanh(h)
    h = gcn_conv(h, src, dst, Wc2, bc2, n)
    h = jnp.tanh(h)
    h = gcn_conv(h, src, dst, Wc3, bc3, n)
    # Faithful to original: conv3 output is overwritten by vertices.tanh()
    h = jnp.tanh(x) + 0.0 * h.sum()
    return predictor_mlp(h, src, dst, current_vertex_idx, W1, b1, W2, b2)

if __name__ == "__main__":
    import jax
    _d = setup_inputs()
    print(jax.jit(kernel)(*tuple(_d.values())))

</pallas_src>

<mosaic_0001>
#map = affine_map<(d0, d1) -> (0, 0)>
#map1 = affine_map<(d0, d1) -> (0)>
module attributes {stable_mosaic.version = 14 : i64} {
  func.func @_nbr_body(%arg0: i32, %arg1: i32, %arg2: memref<2x320000xi32, #tpu.memory_space<hbm>>, %arg3: memref<16xi32, #tpu.memory_space<hbm>>, %arg4: memref<32x10240xf32, #tpu.memory_space<hbm>>, %arg5: memref<2x10496xi32, #tpu.memory_space<vmem>>, %arg6: memref<16xi32, #tpu.memory_space<vmem>>, %arg7: memref<10240xf32, #tpu.memory_space<vmem>>) attributes {dimension_semantics = [#tpu.dimension_semantics<core_parallel>, #tpu.dimension_semantics<subcore_parallel>], iteration_bounds = array<i64: 2, 16>, scalar_prefetch = 0 : i64, scratch_operands = 3 : i64, tpu.core_type = #tpu.core_type<sc_vector_subcore>, window_params = [{transform_indices = #map}, {transform_indices = #map1}, {transform_indices = #map}]} {
    %mul3A = arith.constant 2 : i32
    %mul3A_0 = arith.muli %arg1, %mul3A : i32
    %add3A = arith.addi %mul3A_0, %arg0 : i32
    %mul3A_1 = arith.constant 9984 : i32
    %mul3A_2 = arith.muli %add3A, %mul3A_1 : i32
    %multiple_of3A = tpu.assume_multiple %mul3A_2, 128 : i32
    "tpu.region"() ({
      %run_scoped3A = tpu.sem_alloc : memref<!tpu.dma_semaphore, #tpu.memory_space<semaphore_mem>>
      %dma_start3A = arith.constant 0 : i32
      %dma_start3A_10 = tpu.memref_slice %arg2[%dma_start3A, %multiple_of3A] : memref<2x320000xi32, #tpu.memory_space<hbm>> -> memref<2x10496xi32, #tpu.memory_space<hbm>>
      %dma_start3A_11 = arith.constant 0 : i32
      %dma_start3A_12 = tpu.memref_slice %arg2[%dma_start3A_11, %multiple_of3A] : memref<2x320000xi32, #tpu.memory_space<hbm>> -> memref<2x10496xi32, #tpu.memory_space<hbm>>
      tpu.enqueue_dma source(%dma_start3A_12 : memref<2x10496xi32, #tpu.memory_space<hbm>>) target(%arg5 : memref<2x10496xi32, #tpu.memory_space<vmem>>) target_semaphore(%run_scoped3A : memref<!tpu.dma_semaphore, #tpu.memory_space<semaphore_mem>>)
      %dma_wait3A = arith.constant 0 : i32
      %dma_wait3A_13 = tpu.memref_slice %arg2[%dma_wait3A, %multiple_of3A] : memref<2x320000xi32, #tpu.memory_space<hbm>> -> memref<2x10496xi32, #tpu.memory_space<hbm>>
      %dma_wait3A_14 = arith.constant 0 : i32
      %dma_wait3A_15 = tpu.memref_slice %arg2[%dma_wait3A_14, %multiple_of3A] : memref<2x320000xi32, #tpu.memory_space<hbm>> -> memref<2x10496xi32, #tpu.memory_space<hbm>>
      tpu.wait_dma2 semaphore(%run_scoped3A : memref<!tpu.dma_semaphore, #tpu.memory_space<semaphore_mem>>) src(%dma_wait3A_15 : memref<2x10496xi32, #tpu.memory_space<hbm>>) dst(%arg5 : memref<2x10496xi32, #tpu.memory_space<vmem>>)
      tpu.yield
    }) : () -> ()
    "tpu.region"() ({
      %run_scoped3A = tpu.sem_alloc : memref<!tpu.dma_semaphore, #tpu.memory_space<semaphore_mem>>
      tpu.enqueue_dma source(%arg3 : memref<16xi32, #tpu.memory_space<hbm>>) target(%arg6 : memref<16xi32, #tpu.memory_space<vmem>>) target_semaphore(%run_scoped3A : memref<!tpu.dma_semaphore, #tpu.memory_space<semaphore_mem>>)
      tpu.wait_dma2 semaphore(%run_scoped3A : memref<!tpu.dma_semaphore, #tpu.memory_space<semaphore_mem>>) src(%arg3 : memref<16xi32, #tpu.memory_space<hbm>>) dst(%arg6 : memref<16xi32, #tpu.memory_space<vmem>>)
      tpu.yield
    }) : () -> ()
    %parallel_loop3A = arith.constant 0 : i32
    %parallel_loop3A_3 = arith.constant 10240 : i32
    %parallel_loop3A_4 = arith.constant 16 : i32
    scf.for %parallel_loop3A_10 = %parallel_loop3A to %parallel_loop3A_3 step %parallel_loop3A_4  : i32 {
      %parallel_loop3A_11 = arith.constant 0.000000e+00 : f32
      %parallel_loop3A_12 = vector.broadcast %parallel_loop3A_11 : f32 to vector<16xf32>
      %parallel_loop3A_13 = arith.index_cast %parallel_loop3A_10 : i32 to index
      %parallel_loop3A_14 = tpu.vector_load %arg7[%parallel_loop3A_13] {strides = array<i32>} : memref<10240xf32, #tpu.memory_space<vmem>>, vector<16xf32>,
      tpu.vector_store %arg7[%parallel_loop3A_13], %parallel_loop3A_12 {strides = array<i32>} : memref<10240xf32, #tpu.memory_space<vmem>>, vector<16xf32>,
    } {sc.loop_unroll_factor = 4 : i64, sc.parallel_access}
    %get3A = arith.constant 0 : index
    %get3A_5 = tpu.vector_load %arg6[%get3A] {strides = array<i32>} : memref<16xi32, #tpu.memory_space<vmem>>, vector<16xi32>,
    %broadcast_in_dim3A = arith.constant 1.000000e+00 : f32
    %broadcast_in_dim3A_6 = vector.broadcast %broadcast_in_dim3A : f32 to vector<16xf32>
    %parallel_loop3A_7 = arith.constant 0 : i32
    %parallel_loop3A_8 = arith.constant 10496 : i32
    %parallel_loop3A_9 = arith.constant 16 : i32
    scf.for %parallel_loop3A_10 = %parallel_loop3A_7 to %parallel_loop3A_8 step %parallel_loop3A_9  : i32 {
      %parallel_loop3A_11 = arith.constant 0 : i32
      %parallel_loop3A_12 = arith.index_cast %parallel_loop3A_11 : i32 to index
      %parallel_loop3A_13 = arith.index_cast %parallel_loop3A_10 : i32 to index
      %parallel_loop3A_14 = tpu.vector_load %arg5[%parallel_loop3A_12, %parallel_loop3A_13] {strides = array<i32>} : memref<2x10496xi32, #tpu.memory_space<vmem>>, vector<16xi32>,
      %parallel_loop3A_15 = arith.constant 1 : i32
      %parallel_loop3A_16 = arith.index_cast %parallel_loop3A_15 : i32 to index
      %parallel_loop3A_17 = arith.index_cast %parallel_loop3A_10 : i32 to index
      %parallel_loop3A_18 = tpu.vector_load %arg5[%parallel_loop3A_16, %parallel_loop3A_17] {strides = array<i32>} : memref<2x10496xi32, #tpu.memory_space<vmem>>, vector<16xi32>,
      %parallel_loop3A_19 = arith.cmpi eq, %parallel_loop3A_14, %get3A_5 : vector<16xi32>
      tpu.vector_store_idx %arg7[%parallel_loop3A_18], %broadcast_in_dim3A_6 masked %parallel_loop3A_19 : memref<10240xf32, #tpu.memory_space<vmem>>[vector<16xi32>], vector<16xf32>, vector<16xi1>
    } {sc.loop_unroll_factor = 4 : i64, sc.parallel_access}
    "tpu.region"() ({
      %run_scoped3A = tpu.sem_alloc : memref<!tpu.dma_semaphore, #tpu.memory_space<semaphore_mem>>
      %dma_start3A = arith.constant 0 : i32
      %dma_start3A_10 = tpu.memref_slice %arg4[%add3A, %dma_start3A] : memref<32x10240xf32, #tpu.memory_space<hbm>> -> memref<1x10240xf32, #tpu.memory_space<hbm>>
      %dma_start3A_11 = tpu.memref_squeeze %dma_start3A_10 : memref<1x10240xf32, #tpu.memory_space<hbm>> -> memref<10240xf32, #tpu.memory_space<hbm>>
      %dma_start3A_12 = arith.constant 0 : i32
      %dma_start3A_13 = tpu.memref_slice %arg4[%add3A, %dma_start3A_12] : memref<32x10240xf32, #tpu.memory_space<hbm>> -> memref<1x10240xf32, #tpu.memory_space<hbm>>
      %dma_start3A_14 = tpu.memref_squeeze %dma_start3A_13 : memref<1x10240xf32, #tpu.memory_space<hbm>> -> memref<10240xf32, #tpu.memory_space<hbm>>
      tpu.enqueue_dma source(%arg7 : memref<10240xf32, #tpu.memory_space<vmem>>) target(%dma_start3A_14 : memref<10240xf32, #tpu.memory_space<hbm>>) target_semaphore(%run_scoped3A : memref<!tpu.dma_semaphore, #tpu.memory_space<semaphore_mem>>)
      %dma_wait3A = arith.constant 0 : i32
      %dma_wait3A_15 = tpu.memref_slice %arg4[%add3A, %dma_wait3A] : memref<32x10240xf32, #tpu.memory_space<hbm>> -> memref<1x10240xf32, #tpu.memory_space<hbm>>
      %dma_wait3A_16 = tpu.memref_squeeze %dma_wait3A_15 : memref<1x10240xf32, #tpu.memory_space<hbm>> -> memref<10240xf32, #tpu.memory_space<hbm>>
      %dma_wait3A_17 = arith.constant 0 : i32
      %dma_wait3A_18 = tpu.memref_slice %arg4[%add3A, %dma_wait3A_17] : memref<32x10240xf32, #tpu.memory_space<hbm>> -> memref<1x10240xf32, #tpu.memory_space<hbm>>
      %dma_wait3A_19 = tpu.memref_squeeze %dma_wait3A_18 : memref<1x10240xf32, #tpu.memory_space<hbm>> -> memref<10240xf32, #tpu.memory_space<hbm>>
      tpu.wait_dma2 semaphore(%run_scoped3A : memref<!tpu.dma_semaphore, #tpu.memory_space<semaphore_mem>>) src(%arg7 : memref<10240xf32, #tpu.memory_space<vmem>>) dst(%dma_wait3A_19 : memref<10240xf32, #tpu.memory_space<hbm>>)
      tpu.yield
    }) : () -> ()
    return
  }
}

module attributes {stable_mosaic.version = 14 : i64} {
  func.func @_masked_softmax(%arg0: memref<1x10000xf32, #tpu.memory_space<vmem>>, %arg1: memref<32x10240xf32, #tpu.memory_space<vmem>>, %arg2: memref<10000xf32, #tpu.memory_space<vmem>>) attributes {dimension_semantics = [], scalar_prefetch = 0 : i64, scratch_operands = 0 : i64, tpu.core_type = #tpu.core_type<tc>} {
    %get3A = arith.constant 0 : index
    %get3A_0 = arith.constant 0 : index
    %get3A_1 = vector.load %arg1[%get3A, %get3A_0] : memref<32x10240xf32, #tpu.memory_space<vmem>>, vector<32x10240xf32>
    %reduce_sum3A = arith.constant dense<0.000000e+00> : vector<10240xf32>
    %reduce_sum3A_2 = vector.multi_reduction <add>, %get3A_1, %reduce_sum3A [0] : vector<32x10240xf32> to vector<10240xf32>
    %broadcast_in_dim3A = vector.shape_cast %reduce_sum3A_2 : vector<10240xf32> to vector<1x10240xf32>
    %slice3A = vector.extract_strided_slice %broadcast_in_dim3A {offsets = [0, 0], sizes = [1, 10000], strides = [1, 1]} : vector<1x10240xf32> to vector<1x10000xf32>
    %gt3A = arith.constant 0.000000e+00 : f32
    %gt3A_3 = vector.broadcast %gt3A : f32 to vector<1x10000xf32>
    %gt3A_4 = arith.cmpf ogt, %slice3A, %gt3A_3 : vector<1x10000xf32>
    %get3A_5 = arith.constant 0 : index
    %get3A_6 = arith.constant 0 : index
    %get3A_7 = vector.load %arg0[%get3A_5, %get3A_6] : memref<1x10000xf32, #tpu.memory_space<vmem>>, vector<1x10000xf32>
    %jit3A = arith.constant -1.000000e+09 : f32
    %broadcast_in_dim3A_8 = vector.broadcast %jit3A : f32 to vector<1x10000xf32>
    %select_n3A = arith.select %gt3A_4, %get3A_7, %broadcast_in_dim3A_8 : vector<1x10000xi1>, vector<1x10000xf32>
    %reduce_max3A = vector.shape_cast %select_n3A : vector<1x10000xf32> to vector<1x1x10000xf32>
    %reduce_max3A_9 = arith.constant dense<0xFF800000> : vector<1xf32>
    %reduce_max3A_10 = vector.multi_reduction <maximumf>, %reduce_max3A, %reduce_max3A_9 [1, 2] : vector<1x1x10000xf32> to vector<1xf32>
    %reduce_max3A_11 = vector.shape_cast %reduce_max3A_10 : vector<1xf32> to vector<1x1x1xf32>
    %reduce_max3A_12 = vector.extract %reduce_max3A_11[0, 0, 0] : f32 from vector<1x1x1xf32>
    %sub3A = vector.broadcast %reduce_max3A_12 : f32 to vector<1x10000xf32>
    %sub3A_13 = arith.subf %select_n3A, %sub3A : vector<1x10000xf32>
    %exp3A = math.exp %sub3A_13 : vector<1x10000xf32>
    %reduce_sum3A_14 = vector.shape_cast %exp3A : vector<1x10000xf32> to vector<1x1x10000xf32>
    %reduce_sum3A_15 = arith.constant dense<0.000000e+00> : vector<1xf32>
    %reduce_sum3A_16 = vector.multi_reduction <add>, %reduce_sum3A_14, %reduce_sum3A_15 [1, 2] : vector<1x1x10000xf32> to vector<1xf32>
    %reduce_sum3A_17 = vector.shape_cast %reduce_sum3A_16 : vector<1xf32> to vector<1x1x1xf32>
    %reduce_sum3A_18 = vector.extract %reduce_sum3A_17[0, 0, 0] : f32 from vector<1x1x1xf32>
    %div3A = vector.broadcast %reduce_sum3A_18 : f32 to vector<1x10000xf32>
    %div3A_19 = arith.divf %exp3A, %div3A : vector<1x10000xf32>
    %squeeze3A = vector.shape_cast %div3A_19 : vector<1x10000xf32> to vector<10000xf32>
    %swap3A = arith.constant 0 : index
    %swap3A_20 = vector.load %arg2[%swap3A] : memref<10000xf32, #tpu.memory_space<vmem>>, vector<10000xf32>
    tpu.vector_store %arg2[%swap3A], %squeeze3A {strides = array<i32>} : memref<10000xf32, #tpu.memory_space<vmem>>, vector<10000xf32>,
    return
  }
}

module attributes {stable_mosaic.version = 14 : i64} {
  func.func @_mlp_scores(%arg0: memref<10000x128xf32, #tpu.memory_space<vmem>>, %arg1: memref<128x256xf32, #tpu.memory_space<vmem>>, %arg2: memref<256x1xf32, #tpu.memory_space<vmem>>, %arg3: memref<256x1xf32, #tpu.memory_space<vmem>>, %arg4: memref<1x1xf32, #tpu.memory_space<vmem>>, %arg5: memref<1x10000xf32, #tpu.memory_space<vmem>>) attributes {dimension_semantics = [], scalar_prefetch = 0 : i64, scratch_operands = 0 : i64, tpu.core_type = #tpu.core_type<tc>} {
    %get3A = arith.constant 0 : index
    %get3A_0 = arith.constant 0 : index
    %get3A_1 = vector.load %arg0[%get3A, %get3A_0] : memref<10000x128xf32, #tpu.memory_space<vmem>>, vector<10000x128xf32>
    %tanh3A = math.tanh %get3A_1 : vector<10000x128xf32>
    %get3A_2 = arith.constant 0 : index
    %get3A_3 = arith.constant 0 : index
    %get3A_4 = vector.load %arg1[%get3A_2, %get3A_3] : memref<128x256xf32, #tpu.memory_space<vmem>>, vector<128x256xf32>
    %dot_general3A = arith.constant dense<0.000000e+00> : vector<256x10000xf32>
    %dot_general3A_5 = tpu.matmul %get3A_4, %tanh3A, %dot_general3A {dimension_numbers = #tpu.dot_dimension_numbers<[0], [1], [1], [0], [0, 1, 1, 0], [], []>, transpose_lhs_hint = false} : vector<128x256xf32>, vector<10000x128xf32>, vector<256x10000xf32> -> vector<256x10000xf32>
    %get3A_6 = arith.constant 0 : index
    %get3A_7 = arith.constant 0 : index
    %get3A_8 = vector.load %arg2[%get3A_6, %get3A_7] : memref<256x1xf32, #tpu.memory_space<vmem>>, vector<256x1xf32>
    %add3A = vector.broadcast %get3A_8 : vector<256x1xf32> to vector<256x10000xf32>
    %add3A_9 = arith.addf %dot_general3A_5, %add3A : vector<256x10000xf32>
    %gt3A = arith.constant 0.000000e+00 : f32
    %gt3A_10 = vector.broadcast %gt3A : f32 to vector<256x10000xf32>
    %gt3A_11 = arith.cmpf ogt, %add3A_9, %gt3A_10 : vector<256x10000xf32>
    %mul3A = arith.constant 1.000000e-01 : f32
    %mul3A_12 = vector.broadcast %mul3A : f32 to vector<256x10000xf32>
    %mul3A_13 = arith.mulf %mul3A_12, %add3A_9 : vector<256x10000xf32>
    %select_n3A = arith.select %gt3A_11, %add3A_9, %mul3A_13 : vector<256x10000xi1>, vector<256x10000xf32>
    %get3A_14 = arith.constant 0 : index
    %get3A_15 = arith.constant 0 : index
    %get3A_16 = vector.load %arg3[%get3A_14, %get3A_15] : memref<256x1xf32, #tpu.memory_space<vmem>>, vector<256x1xf32>
    %mul3A_17 = vector.broadcast %get3A_16 : vector<256x1xf32> to vector<256x10000xf32>
    %mul3A_18 = arith.mulf %select_n3A, %mul3A_17 : vector<256x10000xf32>
    %reduce_sum3A = arith.constant dense<0.000000e+00> : vector<10000xf32>
    %reduce_sum3A_19 = vector.multi_reduction <add>, %mul3A_18, %reduce_sum3A [0] : vector<256x10000xf32> to vector<10000xf32>
    %broadcast_in_dim3A = vector.shape_cast %reduce_sum3A_19 : vector<10000xf32> to vector<1x10000xf32>
    %get3A_20 = arith.constant 0 : index
    %get3A_21 = arith.constant 0 : index
    %get3A_22 = vector.load %arg4[%get3A_20, %get3A_21] : memref<1x1xf32, #tpu.memory_space<vmem>>, vector<1x1xf32>
    %add3A_23 = vector.broadcast %get3A_22 : vector<1x1xf32> to vector<1x10000xf32>
    %add3A_24 = arith.addf %broadcast_in_dim3A, %add3A_23 : vector<1x10000xf32>
    %swap3A = arith.constant 0 : index
    %swap3A_25 = arith.constant 0 : index
    %swap3A_26 = vector.load %arg5[%swap3A, %swap3A_25] : memref<1x10000xf32, #tpu.memory_space<vmem>>, vector<1x10000xf32>
    tpu.vector_store %arg5[%swap3A, %swap3A_25], %add3A_24 {strides = array<i32>} : memref<1x10000xf32, #tpu.memory_space<vmem>>, vector<1x10000xf32>,
    return
  }
}

</mosaic_0001>

<sc_bundles>
// kernel: kernel.5.cloned.1.call-start
scs
__scs_entry_jumppad:
0x0: {  	(pc) =	sbr.rel $0x88, $3  }
0x1: {  	(tag) =	ssettag $0x0;
	lr =	simm.s32 $0x1  }
0x2: {  	[smem:$0x3F9A] =	sst lr;
	_ =	strace $0xD0000000  }
0x3: {  	_ = 	snop  }
0x4: {  	_ = 	snop  }
0x5: {  	_ = 	snop  }
0x6: {  	_ = 	snop  }
0x7: {  	_ = 	snop  }
__scs_overlays_trampoline_lowered:
0x8: {  	[smem:$0x3FA9] =	sst s0  }
0x9: {  	[smem:$0x3FAA] =	sst s1  }
0xa: {  	[smem:$0x3FAB] =	sst s2  }
0xb: {  	[smem:$0x3FAC] =	sst s3  }
0xc: {  	[smem:$0x3FAD] =	sst s4  }
0xd: {  	[smem:$0x3FAE] =	sst s5  }
0xe: {  	[smem:$0x3FAF] =	sst s6  }
0xf: {  	[smem:$0x3FB0] =	sst s7  }
0x10: {  	[smem:$0x3FB1] =	sst s8  }
0x11: {  	[smem:$0x3FB2] =	sst s9;
	s0 =	simm.s32 @!p0 $0x0  }
0x12: {  	s1 =	sld [smem:$0x3F98];
	s0 =	simm.s32 @p0 $0x1  }
0x13: {  	[smem:$0x3FB3] =	sst s0;
	s0 =	simm.s32 @!p1 $0x0  }
0x14: {  	s2 =	sld [smem:$0x3F97];
	s0 =	simm.s32 @p1 $0x1  }
0x15: {  	[smem:$0x3FB4] =	sst s0;
	s0 =	simm.s32 @!p2 $0x0  }
0x16: {  	s3 =	sld [smem:$0x3FDB];
	s0 =	simm.s32 @p2 $0x1  }
0x17: {  	s4 =	simm.s32 $0x1BF5;
	[smem:$0x3FB6] =	sst s0  }
0x18: {  	s0 =	sld [smem:$0x3F99];
	_ =	swait.ge [sflag:s4], $0x0  }
0x19: {  	s7 =	sld [smem:$0x3F9A]  }
0x1a: {  	s8 =	sadd.s32 $0xFFFFE003, lr  }
0x1b: {  	s9 =	sadd.s32 $0xFFFFFEF7, lr;
	s5 =	simm.s32 $0xFFFFFFFF;
	p2 =	slt.u32 s8, $0xFFFFF086  }
0x1c: {  	p1 =	slt.u32 s9, $0xF7A;
	s5 =	simm.s32 @!p2 $0x0  }
0x1d: {  	s5 =	simm.s32 @p1 $0x1;
	p0 =	seq.s32 s7, s2  }
0x1e: {  	s7 =	smul.u32 @!p0 $0xF7A, s2;
	p2 =	seq.s32 @!p0 s5, $0x0  }
0x1f: {  	s9 =	smul.u32 $0xF7A, s1;
	s8 =	simm.s32 @!p0 $0x1BF5;
	p2 =	por !p2, p0  }
0x20: {  	[sflag:s8] =	ssyncset.s32 @!p0 $0xFFFFF086;
	s6 =	sadd.s32 @!p0 s3, s7;
	s7 =	simm.s32 @!p0 $0x108  }
0x21: {  	s3 =	sadd.s32 s3, s9;
	s6 =	sadd.s32 @!p0 $0x88, s6;
	s7 =	simm.s32 @p2 $0x1082  }
0x22: {  	[simem:s7], [sflag:s8] =	dma.local @!p0 [hbm:s6], $0xF7A  }
0x23: {  	s9 =	sor.u32 $0xD0000000, s2;
	s6 =	simm.s32 $0x108;
	_ =	swait.ge @!p0 [sflag:s8], $0x0  }
0x24: {  	s3 =	sadd.s32 $0x88, s3;
	s6 =	simm.s32 @!p1 $0x1082;
	[sflag:s4] =	ssyncset.s32 $0xFFFFF086  }
0x25: {  	[simem:s6], [sflag:s4] =	dma.local [hbm:s3], $0xF7A  }
0x26: {  	[smem:$0x3F9A] =	sst s1;
	(tag) =	ssettag s2;
	_ =	strace s9  }
0x27: {  	s1 =	sld [smem:$0x3FAA]  }
0x28: {  	s2 =	sld [smem:$0x3FAB]  }
0x29: {  	s4 =	sld [smem:$0x3FAD]  }
0x2a: {  	p0 =	seq.s32 s5, $0x0;
	s5 =	sld [smem:$0x3FAE]  }
0x2b: {  	s6 =	sld [smem:$0x3FAF]  }
0x2c: {  	s7 =	sld [smem:$0x3FB0]  }
0x2d: {  	s3 =	simm.s32 $0x108;
	s8 =	sld [smem:$0x3FB1]  }
0x2e: {  	s3 =	simm.s32 @!p0 $0x1082;
	s9 =	sld [smem:$0x3FB2]  }
0x2f: {  	lr =	sadd.s32 s0, s3;
	s0 =	sld [smem:$0x3FA9]  }
0x30: {  	s3 =	sld [smem:$0x3FAC]  }
0x31: {  	[smem:$0x3FB5] =	sst s10  }
0x32: {  	s10 =	sld [smem:$0x3FB3];
	_ =	sdelay $0x3  }
0x33: {  	p0 =	seq.s32 s10, $0x1;
	s10 =	sld [smem:$0x3FB5];
	_ =	sdelay $0x3  }
0x34: {  	[smem:$0x3FB5] =	sst s10  }
0x35: {  	s10 =	sld [smem:$0x3FB4];
	_ =	sdelay $0x3  }
0x36: {  	p1 =	seq.s32 s10, $0x1;
	s10 =	sld [smem:$0x3FB5];
	_ =	sdelay $0x3  }
0x37: {  	[smem:$0x3FB5] =	sst s10  }
0x38: {  	s10 =	sld [smem:$0x3FB6]  }
0x39: {  	_ = 	snop;
	(pc) =	sbr.ind lr, $3  }
0x3a: {  	_ = 	snop  }
0x3b: {  	_ = 	snop  }
0x3c: {  	p2 =	seq.s32 s10, $0x1;
	s10 =	sld [smem:$0x3FB5]  }
0x3d: {  	_ =	shalt  }
0x3e: {  	_ =	shalt  }
0x3f: {  	_ =	shalt  }
0x40: {  	_ =	shalt  }
0x41: {  	_ =	shalt  }
0x42: {  	_ =	shalt  }
0x43: {  	_ =	shalt  }
0x44: {  	_ =	shalt  }
0x45: {  	_ =	shalt  }
0x46: {  	_ =	shalt  }
0x47: {  	_ =	shalt  }
0x48: {  	_ =	shalt  }
0x49: {  	_ =	shalt  }
0x4a: {  	_ =	shalt  }
0x4b: {  	_ =	shalt  }
0x4c: {  	_ =	shalt  }
0x4d: {  	_ =	shalt  }
0x4e: {  	_ =	shalt  }
0x4f: {  	_ =	shalt  }
0x50: {  	_ =	shalt  }
0x51: {  	_ =	shalt  }
0x52: {  	_ =	shalt  }
0x53: {  	_ =	shalt  }
0x54: {  	_ =	shalt  }
0x55: {  	_ =	shalt  }
0x56: {  	_ =	shalt  }
0x57: {  	_ =	shalt  }
0x58: {  	_ =	shalt  }
0x59: {  	_ =	shalt  }
0x5a: {  	_ =	shalt  }
0x5b: {  	_ =	shalt  }
0x5c: {  	_ =	shalt  }
0x5d: {  	_ =	shalt  }
0x5e: {  	_ =	shalt  }
0x5f: {  	_ =	shalt  }
0x60: {  	_ =	shalt  }
0x61: {  	_ =	shalt  }
0x62: {  	_ =	shalt  }
0x63: {  	_ =	shalt  }
0x64: {  	_ =	shalt  }
0x65: {  	_ =	shalt  }
0x66: {  	_ =	shalt  }
0x67: {  	_ =	shalt  }
0x68: {  	_ =	shalt  }
0x69: {  	_ =	shalt  }
0x6a: {  	_ =	shalt  }
0x6b: {  	_ =	shalt  }
0x6c: {  	_ =	shalt  }
0x6d: {  	_ =	shalt  }
0x6e: {  	_ =	shalt  }
0x6f: {  	_ =	shalt  }
0x70: {  	_ =	shalt  }
0x71: {  	_ =	shalt  }
0x72: {  	_ =	shalt  }
0x73: {  	_ =	shalt  }
0x74: {  	_ =	shalt  }
0x75: {  	_ =	shalt  }
0x76: {  	_ =	shalt  }
0x77: {  	_ =	shalt  }
0x78: {  	_ =	shalt  }
0x79: {  	_ =	shalt  }
0x7a: {  	_ =	shalt  }
0x7b: {  	_ =	shalt  }
0x7c: {  	_ =	shalt  }
0x7d: {  	_ =	shalt  }
0x7e: {  	_ =	shalt  }
0x7f: {  	_ =	shalt  }
0x80: {  	_ =	shalt  }
0x81: {  	_ =	shalt  }
0x82: {  	_ =	shalt  }
0x83: {  	_ =	shalt  }
0x84: {  	_ =	shalt  }
0x85: {  	_ =	shalt  }
0x86: {  	_ =	shalt  }
0x87: {  	_ =	shalt  }
.Lfunc_end0:
.L_simem_size_0:
called_computation_lowered:
.L_overlay_start_0:
0x88: {  	s2 =	sld [smem:$0x3FD9]  }
0x89: {  	s3 =	sld [smem:$0x3FFE];
	_ =	sdelay $0x1  }
0x8a: {  	s1 =	srdreg.scid  }
0x8b: {  	s0 =	sand.u32 $0x1, s1  }
0x8c: {  	s17 =	sshll.u32 s0, $0xA;
	s2 =	sadd.s32 s3, s2  }
0x8d: {  	s2 =	sadd.s32 s2, s17  }
0x8e: {  	[smem:$0x3FC1] =	sst s2  }
0x8f: {  	_ = 	snop  }
0x90: {  	s2 =	sld [smem:$0x3FC8];
	(tm) =	ssettm $0x1  }
0x91: {  	s18 =	sld [smem:$0x3FFB];
	_ =	sdelay $0x3  }
0x92: {  	_ =	strace s18  }
0x93: {  	s3 =	sld [smem:$0x3FFC];
	_ =	sdelay $0x3  }
0x94: {  	_ =	strace s3  }
0x95: {  	s3 =	sld [smem:$0x3FFD];
	_ =	sdelay $0x3  }
0x96: {  	_ =	strace s3  }
0x97: {  	_ =	strace $0x8FFFFFFF  }
0x98: {  	s19 =	sld [smem:$0x3FDB];
	_ =	sdelay $0x1  }
0x99: {  	s4 =	simm.s32 $_scs_section_size  }
0x9a: {  	s5 =	simm.s32 $_size__tile_overlayer_lowered;
	s6 =	simm.s32 $_tile_overlayer_lowered  }
0x9b: {  	s22 =	simm.s32 $0x1BFF;
	s21 =	sshll.u32 s6, $0x1;
	s3 =	sadd.s32 s4, s19  }
0x9c: {  	s7 =	simm.s32 $0x0;
	s20 =	sshll.u32 s5, $0x1;
	s5 =	sadd.s32 s21, s3  }
0x9d: {  	[timem:s7], [sflag:s22] =	dma.local [hbm:s5], s20  }
0x9e: {  	_ =	swait.ge [sflag:s22], s20  }
0x9f: {  	s4 =	ssub.s32 $0x0, s20;
	[sflag:s22] =	ssyncset.done $0x0  }
0xa0: {  	[sflag:s22] =	ssyncadd.s32 s4;
	_ =	sdelay $0x1  }
0xa1: {  	s23 =	simm.s32 $0x1B8B  }
0xa2: {  	_ =	swait.ge [sflag:s23], $0x1  }
0xa3: {  	[sflag:s23] =	ssyncset.done $0x0  }
0xa4: {  	s25 =	simm.s32 $0x1B8E;
	s24 =	sld [smem:$0x3FFE];
	[sflag:s23] =	ssyncadd.s32 $0xFFFFFFFF  }
0xa5: {  	s26 =	simm.s32 $execute0_lowered;
	[smem:$0x3FD2] =	sst s25  }
0xa6: {  	s5 =	sshll.u32 s26, $0x1;
	_ =	strace $0x80000046;
	[dreg:$0x1] =	wrdreg $0xFFFFFFFF  }
0xa7: {  	s28 =	simm.s32 $_size_execute0_lowered;
	s3 =	sadd.s32 s3, s5;
	[dreg:$0x0] =	wrdreg $0x0  }
0xa8: {  	s5 =	sshll.u32 s28, $0x1;
	[dreg:$0x2] =	wrdreg s3  }
0xa9: {  	[dreg:$0x3] =	wrdreg s5  }
0xaa: {  	[dreg:$0x4] =	wrdreg $0xC0  }
0xab: {  	_ =	task [dreg:s7], $0x5FFFF  }
0xac: {  	[dreg:$0x1] =	wrdreg $0xFFFFFFFF  }
0xad: {  	[dreg:$0x0] =	wrdreg $0x60  }
0xae: {  	[dreg:$0x2] =	wrdreg s2  }
0xaf: {  	[dreg:$0x3] =	wrdreg s24  }
0xb0: {  	[dreg:$0x4] =	wrdreg $0x9  }
0xb1: {  	_ =	task.clear_ibuf [dreg:s7], $0x5FFFF;
	_ =	strace $0x90000046  }
0xb2: {  	s29 =	simm.s32 $0x9;
	_ =	strace $0x80000048  }
0xb3: {  	_ =	swait.ge [sflag:s29], $0x1  }
0xb4: {  	[sflag:s29] =	ssyncadd.s32 $0xFFFFFFFF  }
0xb5: {  	_ =	strace $0x90000048  }
0xb6: {  	_ =	sfence  }
0xb7: {  	s30 =	sld [smem:$0x0];
	_ =	sdelay $0x2  }
0xb8: {  	s31 =	sshll.u32 s1, $0xD;
	s1 =	sshrl.u32 s1, $0x2  }
0xb9: {  	s3 =	sand.u32 $0x4000, s31;
	s1 =	sadd.s32 s1, s30  }
0xba: {  	s0 =	sor.u32 s3, s0;
	s1 =	sshll.u32 s1, $0x11  }
0xbb: {  	s0 =	sor.u32 s1, s0  }
0xbc: {  	s0 =	sadd.s32 $0x8F2B, s0  }
0xbd: {  	[sflag:s0] =	ssyncadd.remote.s32 $0x1  }
0xbe: {  	_ =	sfence.sel $0xFFFF  }
0xbf: {  	[dreg:$0x0] =	wrdreg $0xFFFFFFFF;
	(pc) =	sbr.abs _section_cstart, $3  }
0xc0: {  	[dreg:$0x1] =	wrdreg $0xFFFFFFFF  }
0xc1: {  	_ =	task.clear_ibuf [dreg:s7], $0x2FFFF;
	_ =	strace $0x9FFFFFFF  }
0xc2: {  	(tm) =	ssettm $0x7FFFFFFF  }
0xc3: {  	_ =	shalt  }
tec
execute0_lowered:
.L_overlay_start_1:
0x0: {  	(tag) =	ssettag $0x1  }
0x1: {  	s4 =	rddreg [dreg:$0x0];
	s1 =	srdreg.scid  }
0x2: {  	s0 =	stileid.u32;
	s5 =	rddreg [dreg:$0x1];
	s10 =	simm.s32 $0x80  }
0x3: {  	s11 =	simm.s32 $0x400;
	s12 =	simm.s32 $0x0;
	s3 =	sand.u32 $0x1, s1  }
0x4: {  	s2 =	sshll.u32 s0, $0x1;
	s1 =	rddreg [dreg:$0x2];
	s7 =	sshrl.u32 s0, $0x2  }
0x5: {  	s6 =	sor.u32 s3, s2;
	s2 =	simm.s32 $0x0;
	s7 =	smul.u32 $0x14000, s7  }
0x6: {  	s30 =	ssub.s32 $0x2, s3;
	s3 =	sadd.s32 $0x1400, s5;
	s8 =	sshll.u32 s6, $0x7  }
0x7: {  	[smem:$0x7FF] =	sst s2;
	s9 =	sshrl.u32 s30, $0x1;
	s8 =	sand.u32 $0x380, s8  }
0x8: {  	s6 =	smul.u32 $0x9C0, s6;
	_ =	strace $0x80000047;
	s7 =	sor.u32 s7, s8  }
0x9: {  	s31 =	ssub.s32 s30, s9;
	s9 =	simm.s32 $0x5280;
	s7 =	sshrl.u32 s7, $0x3  }
0xa: {  	s4 =	sadd.s32 s4, s6;
	s6 =	smax.u32 s31, $0x1;
	s5 =	sadd.s32 s7, s5  }
0xb: {  	v0 =	vimm.f32 $0.0e+00;
	v1 =	vimm.f32 $1.000000000e+00;
	s8 =	simm.s32 $0x5200;
	s7 =	simm.s32 $0x1;
	s5 =	sadd.s32 $0x1600, s5  }
.LBB2_1:
0xc: {  	[tilespmem:s2], [sflag:$0x1] =	stream.linear.gather [hbm4b:s4+s2], $0x5200, $0x38;
	[tilespmem:$0x7A80] =	vst v63  }
0xd: {  	_ =	swait.ge [sflag:s7], $0x5200  }
0xe: {  	[sflag:s7] =	ssyncset.done $0x0  }
0xf: {  	[sflag:s7] =	ssyncadd.s32 $0xFFFFAE00  }
0x10: {  	[tilespmem:s8], [sflag:$0x1] =	stream.linear.gather [hbm4b:s3+s2], $0x80, $0x38;
	[tilespmem:$0x7A80] =	vst v63  }
0x11: {  	_ =	swait.ge [sflag:s7], $0x80  }
0x12: {  	[sflag:s7] =	ssyncset.done $0x0  }
0x13: {  	s13 =	simm.s32 $0x52A0;
	[sflag:s7] =	ssyncadd.s32 $0xFFFFFF80  }
0x14: {  	[tilespmem:s13+$0xFFFFFFE0] =	vst v0  }
0x15: {  	[tilespmem:s13+$0x10] =	vst v0  }
0x16: {  	s14 =	simm.s32 $0x0;
	[tilespmem:s13+$0x0] =	vst v0  }
.LBB2_2:
0x17: {  	s14 =	sadd.s32 $0x40, s14  }
0x18: {  	[tilespmem:s13+$0xFFFFFFF0] =	vst v0;
	s13 =	sadd.s32 $0x40, s13;
	p0 =	slt.u32 s14, $0x27C0  }
.Ltmp0:
0x19: {  	[tilespmem:s13+$0xFFFFFFE0] =	vst v0;
	(pc) =	sbr.rel @p0 .LBB2_2-.Ltmp0, $3  }
0x1a: {  	_ =	sdelay $0x1  }
0x1b: {  	[tilespmem:s13+$0x10] =	vst v0  }
0x1c: {  	[tilespmem:s13+$0x0] =	vst v0  }
0x1d: {  	s14 =	simm.s32 $0x0;
	p0 =	por $0x0, $0x0;
	s15 =	simm.s32 $0x0  }
0x1e: {  	s16 =	simm.s32 $0x1;
	[tilespmem:s13+$0xFFFFFFF0] =	vst v0;
	s21 =	sand.u32 $0x40, s15;
	s14 =	sand.u32 $0x7F00, s14  }
0x1f: {  	s16 =	simm.s32 @!p0 $0x0;
	v2 =	vld [tilespmem:$0x5200];
	s13 =	sor.u32 s21, s14  }
0x20: {  	s22 =	sshll.u32 s16, $0x6;
	v4 =	vld [tilespmem:s13+$0x30]  }
0x21: {  	s23 =	sadd.s32 $0x0, s22;
	v5 =	vld [tilespmem:s13+$0x0]  }
0x22: {  	v9 =	vld [tilespmem:s13+$0x10];
	s15 =	sadd.s32 $0x30, s23  }
0x23: {  	s14 =	simm.s32 $0x80;
	v12 =	vld [tilespmem:s13+$0x20];
	s24 =	sadd.s32 $0x10, s23;
	s15 =	sor.u32 $0x80, s15  }
0x24: {  	s13 =	simm.s32 $0x40;
	s17 =	sadd.s32 $0x20, s23;
	s16 =	sor.u32 $0x80, s24;
	v11 =	vld [tilespmem:s15+$0x0]  }
0x25: {  	s19 =	sand.u32 $0x7F00, s14;
	s18 =	sand.u32 $0x40, s13;
	s25 =	sor.u32 $0x80, s17;
	v3 =	vld [tilespmem:s16+$0x0]  }
0x26: {  	p0 =	por !p0, !p0;
	s18 =	sor.u32 s18, s19;
	s16 =	simm.s32 $0x1;
	v6 =	vld [tilespmem:s25+$0x0];
	vm3 =	veq.s32 v4, v2  }
0x27: {  	s26 =	sor.u32 $0x80, s23;
	v10 =	vld [tilespmem:s18+$0x30];
	s16 =	simm.s32 @!p0 $0x0  }
0x28: {  	s28 =	sshll.u32 s16, $0x6;
	v4 =	vld [tilespmem:s26+$0x0];
	vm2 =	veq.s32 v9, v2  }
0x29: {  	v7 =	vld [tilespmem:s18+$0x0];
	vm0 =	veq.s32 v5, v2;
	s15 =	sadd.s32 $0x80, s28  }
0x2a: {  	v8 =	vld [tilespmem:s18+$0x10];
	vm0 =	vmmov vm0;
	s29 =	sadd.s32 $0x30, s15  }
0x2b: {  	vm1 =	veq.s32 v12, v2;
	v9 =	vld [tilespmem:s18+$0x20];
	s30 =	sadd.s32 $0x10, s15;
	s31 =	sadd.s32 $0x20, s15;
	s16 =	sor.u32 $0x80, s29  }
0x2c: {  	s15 =	sor.u32 $0x80, s15;
	s17 =	sor.u32 $0x80, s30;
	v5 =	vld [tilespmem:s16+$0x0];
	s16 =	sor.u32 $0x80, s31;
	[tilespmem:v11+s9+$0x0] =	vst.idx.msk vm3, v1  }
.LBB2_4:
0x2d: {  	s13 =	sadd.s32 $0x40, s13  }
0x2e: {  	vm3 =	veq.s32 v10, v2;
	s14 =	sadd.s32 $0x80, s14;
	p0 =	por !p0, !p0;
	[tilespmem:v3+s9+$0x0] =	vst.idx.msk vm2, v1;
	v3 =	vld [tilespmem:s17+$0x0];
	s17 =	simm.s32 $0x1  }
0x2f: {  	s17 =	simm.s32 @!p0 $0x0;
	s18 =	sand.u32 $0x40, s13;
	s19 =	sand.u32 $0x7F00, s14;
	vm4 =	veq.s32 v7, v2;
	v11 =	vld [tilespmem:s16+$0x0]  }
0x30: {  	p1 =	slt.u32 s13, $0x28C0;
	s16 =	sshll.u32 s17, $0x6;
	s18 =	sor.u32 s18, s19;
	vm2 =	veq.s32 v8, v2;
	[tilespmem:v4+s9+$0x0] =	vst.idx.msk vm0, v1;
	v4 =	vld [tilespmem:s15+$0x0];
	vm0 =	vmmov vm4  }
.Ltmp1:
0x31: {  	s15 =	sadd.s32 s16, s14;
	v10 =	vld [tilespmem:s18+$0x30];
	[tilespmem:v6+s9+$0x0] =	vst.idx.msk vm1, v1;
	(pc) =	sbr.rel @p1 .LBB2_4-.Ltmp1, $4  }
0x32: {  	v7 =	vld [tilespmem:s18+$0x0];
	s16 =	sadd.s32 $0x10, s15;
	s19 =	sadd.s32 $0x20, s15;
	s20 =	sadd.s32 $0x30, s15;
	vm1 =	veq.s32 v9, v2  }
0x33: {  	v8 =	vld [tilespmem:s18+$0x10];
	s17 =	sor.u32 $0x80, s16;
	s16 =	sor.u32 $0x80, s19;
	s19 =	sor.u32 $0x80, s20  }
0x34: {  	s15 =	sor.u32 $0x80, s15;
	[tilespmem:v5+s9+$0x0] =	vst.idx.msk vm3, v1;
	v5 =	vld [tilespmem:s19+$0x0];
	v6 =	vmov v11  }
0x35: {  	v9 =	vld [tilespmem:s18+$0x20]  }
0x36: {  	_ = 	snop  }
0x37: {  	v11 =	vld [tilespmem:s17+$0x0]  }
0x38: {  	vm3 =	veq.s32 v10, v2;
	v62 =	vld [tilespmem:s15+$0x0]  }
0x39: {  	v63 =	vld [tilespmem:s16+$0x0];
	vm4 =	veq.s32 v7, v2;
	vm5 =	veq.s32 v8, v2  }
0x3a: {  	vm4 =	vmmov vm4  }
0x3b: {  	[tilespmem:v3+s9+$0x0] =	vst.idx.msk vm2, v1;
	vm15 =	veq.s32 v9, v2  }
0x3c: {  	[tilespmem:v4+s9+$0x0] =	vst.idx.msk vm0, v1  }
0x3d: {  	[tilespmem:v6+s9+$0x0] =	vst.idx.msk vm1, v1  }
0x3e: {  	[tilespmem:v5+s9+$0x0] =	vst.idx.msk vm3, v1  }
0x3f: {  	s12 =	sadd.s32 $0x1, s12;
	[tilespmem:v11+s9+$0x0] =	vst.idx.msk vm5, v1  }
0x40: {  	p0 =	sne.s32 s12, s6;
	[tilespmem:v62+s9+$0x0] =	vst.idx.msk vm4, v1  }
.Ltmp2:
0x41: {  	[tilespmem:v63+s9+$0x0] =	vst.idx.msk vm15, v1;
	(pc) =	sbr.rel @p0 .LBB2_1-.Ltmp2, $4  }
0x42: {  	[hbm4b:s5+s10] =	stream.strided.scatter [tilespmem:s9], [sflag:$0x1], $0x2800, s11, s10, $0x38;
	[tilespmem:$0x7A80] =	vst v63  }
0x43: {  	_ =	swait.ge [sflag:s7], $0x2800  }
0x44: {  	[sflag:s7] =	ssyncset.done $0x0  }
0x45: {  	[sflag:s7] =	ssyncadd.s32 $0xFFFFD800  }
0x46: {  	_ =	sfence.sel $0x180000  }
0x47: {  	[bflag:$0x0] =	sbarrier.arrive $0xFFFF  }
0x48: {  	p0 =	sne.s32 s0, $0x0;
	_ =	strace $0x90000047  }
0x49: {  	s0 =	sadd.s32 @!p0 $0x100000, s1;
	[bflag:$0x2] =	sbarrier.arrive $0xFFFF  }
0x4a: {  	[sflag:s0] =	ssyncadd.tile.s32 @!p0 $0x1;
	_ =	shalt  }
.Lfunc_end2:
_tile_overlayer_lowered:
.L_overlay_start_2:
0x4b: {  	(tag) =	ssettag $0x2  }
0x4c: {  	s0 =	rddreg [dreg:$0x0];
	s2 =	stileid.u32  }
0x4d: {  	s1 =	rddreg [dreg:$0x1];
	p0 =	sne.s32 s2, $0x0  }
0x4e: {  	s3 =	rddreg [dreg:$0x2];
	[bflag:$0x3] =	sbarrier.arrive $0xFFFF;
	s2 =	simm.s32 @!p0 $0x1C01  }
0x4f: {  	[timem:s3], [sflag:s2] =	dma.local @!p0 [hbm:s0], s1  }
0x50: {  	s0 =	simm.s32 @!p0 $0x1  }
0x51: {  	_ =	swait.ge @!p0 [sflag:s0], s1  }
0x52: {  	s1 =	ssub.s32 @!p0 $0x0, s1;
	[sflag:s0] =	ssyncset.done @!p0 $0x0  }
0x53: {  	[sflag:s0] =	ssyncadd.s32 @!p0 s1  }
0x54: {  	[bflag:$0x3] =	sbarrier.arrive $0xFFFF  }
0x55: {  	_ =	shalt  }

</sc_bundles>
